<compile_context>
chip_gen: v7x
topology: tpu7x:2x2x1
jax: 0.10.2.dev20260603
libtpu: 0.0.44.dev20260713+nightly
codegen_flags: <defaults>
</compile_context>

<pallas_src>
import functools

import jax
import jax.numpy as jnp
from jax import lax
from jax.experimental import pallas as pl
from jax.experimental.pallas import tpu as pltpu
from jax.experimental.pallas import tpu_sc as plsc

DIM = 64
SCALE = 8.0

_NC = 2
_NS = 16
_NW = _NC * _NS

_C = 128
_NB = 4


@functools.partial(jax.jit, static_argnums=(2, 3))
def _lookup(table128, x_t, l_seq, b_total):
    stripe = b_total // _NW
    per_l = stripe // _C
    assert per_l == _NB
    mesh = plsc.VectorSubcoreMesh(core_axis_name="c", subcore_axis_name="s")

    @functools.partial(
        pl.kernel,
        mesh=mesh,
        out_type=jax.ShapeDtypeStruct((l_seq, b_total, 128), jnp.float32),
        scratch_types=[
            [pltpu.VMEM((_C,), jnp.int32) for _ in range(_NB)],
            [pltpu.VMEM((_C, 128), jnp.float32) for _ in range(_NB)],
            [pltpu.SemaphoreType.DMA for _ in range(_NB)],
            [pltpu.SemaphoreType.DMA for _ in range(_NB)],
            [pltpu.SemaphoreType.DMA for _ in range(_NB)],
        ],
        compiler_params=pltpu.CompilerParams(needs_layout_passes=False),
    )
    def k(tab_hbm, xt_hbm, out_hbm, idx_v, pairs_v, isem, gsem, ssem):
        wid = lax.axis_index("s") * _NC + lax.axis_index("c")
        b0w = wid * stripe

        def start_idx(l, slot):
            pltpu.async_copy(
                xt_hbm.at[l, pl.ds(b0w + slot * _C, _C)], idx_v[slot], isem[slot]
            )

        def wait_idx(slot):
            pltpu.make_async_copy(
                xt_hbm.at[0, pl.ds(b0w + slot * _C, _C)], idx_v[slot], isem[slot]
            ).wait()

        def start_gather(slot):
            pltpu.async_copy(tab_hbm.at[idx_v[slot]], pairs_v[slot], gsem[slot])

        def wait_gather(slot):
            pltpu.make_async_copy(
                tab_hbm.at[idx_v[slot]], pairs_v[slot], gsem[slot]
            ).wait()

        def start_store(l, slot):
            pltpu.async_copy(
                pairs_v[slot],
                out_hbm.at[l, pl.ds(b0w + slot * _C, _C)],
                ssem[slot],
            )

        def wait_store(l, slot):
            pltpu.make_async_copy(
                pairs_v[slot],
                out_hbm.at[l, pl.ds(b0w + slot * _C, _C)],
                ssem[slot],
            ).wait()

        for j in range(_NB):
            start_idx(0, j)
        for j in range(_NB - 1):
            wait_idx(j)
            start_gather(j)

        def outer(l, carry):
            for b in range(_NB):
                wait_gather(b)

                @pl.when(l < l_seq - 1)
                def _():
                    start_idx(l + 1, b)

                nslot = (b + 3) % _NB
                if b == 0:
                    @pl.when(l >= 1)
                    def _():
                        wait_store(l - 1, nslot)

                    wait_idx(nslot)
                    start_gather(nslot)
                else:
                    wait_store(l, nslot)

                    @pl.when(l < l_seq - 1)
                    def _():
                        wait_idx(nslot)
                        start_gather(nslot)

                start_store(l, b)
            return carry

        lax.fori_loop(0, l_seq, outer, 0)

        wait_store(l_seq - 1, _NB - 1)

    return k(table128, x_t)


def kernel(x, table):
    b, l = x.shape
    x_t = jnp.transpose(x).astype(jnp.int32)
    table128 = jnp.pad(table, ((0, 0), (0, 128 - DIM)))
    rows = _lookup(table128, x_t, l, b)
    return jnp.transpose(rows[:, :, :DIM], (1, 0, 2)) * SCALE

# --- scband reference (transcript-rebuilt; emitter-appended) ---
"""Pipeline reference for scband-embedding-41506563948974 (READ-ONLY COPY).

The authoritative reference and input builder live on the scoring server;
editing this copy changes nothing except your own understanding.
"""

import jax, jax.numpy as jnp
import numpy as np
import math

VOCAB = 1000000
DIM = 64
B = 16384
L = 200

def setup_inputs(seed: int = 0) -> dict:
    key = jax.random.key(seed)
    k1, k2 = jax.random.split(key)
    x = jax.random.randint(k1, (B, L), 0, VOCAB, dtype=jnp.int64 if jax.config.read('jax_enable_x64') else jnp.int32)
    table = jax.random.normal(k2, (VOCAB, DIM), dtype=jnp.float32)
    return {"x": x, "table": table}

def reference(x, table):
    # Embedding lookup followed by scaling by sqrt(model_dim),
    # faithful to: self.embed(x) * math.sqrt(self.model_dim)
    out = jnp.take(table, x, axis=0)
    return out * math.sqrt(DIM)

if __name__ == "__main__":
    import jax
    _d = setup_inputs()
    print(jax.jit(kernel)(*tuple(_d.values())))

</pallas_src>

<mosaic_0001>
#map = affine_map<(d0, d1) -> (0, 0)>
#map1 = affine_map<(d0, d1) -> (0, 0, 0)>
module attributes {stable_mosaic.version = 14 : i64} {
  func.func @k(%arg0: i32, %arg1: i32, %arg2: memref<1000000x128xf32, #tpu.memory_space<hbm>>, %arg3: memref<200x16384xi32, #tpu.memory_space<hbm>>, %arg4: memref<200x16384x128xf32, #tpu.memory_space<hbm>>, %arg5: memref<128xi32, #tpu.memory_space<vmem>>, %arg6: memref<128xi32, #tpu.memory_space<vmem>>, %arg7: memref<128xi32, #tpu.memory_space<vmem>>, %arg8: memref<128xi32, #tpu.memory_space<vmem>>, %arg9: memref<128x128xf32, #tpu.memory_space<vmem>>, %arg10: memref<128x128xf32, #tpu.memory_space<vmem>>, %arg11: memref<128x128xf32, #tpu.memory_space<vmem>>, %arg12: memref<128x128xf32, #tpu.memory_space<vmem>>, %arg13: memref<!tpu.dma_semaphore, #tpu.memory_space<semaphore_mem>>, %arg14: memref<!tpu.dma_semaphore, #tpu.memory_space<semaphore_mem>>, %arg15: memref<!tpu.dma_semaphore, #tpu.memory_space<semaphore_mem>>, %arg16: memref<!tpu.dma_semaphore, #tpu.memory_space<semaphore_mem>>, %arg17: memref<!tpu.dma_semaphore, #tpu.memory_space<semaphore_mem>>, %arg18: memref<!tpu.dma_semaphore, #tpu.memory_space<semaphore_mem>>, %arg19: memref<!tpu.dma_semaphore, #tpu.memory_space<semaphore_mem>>, %arg20: memref<!tpu.dma_semaphore, #tpu.memory_space<semaphore_mem>>, %arg21: memref<!tpu.dma_semaphore, #tpu.memory_space<semaphore_mem>>, %arg22: memref<!tpu.dma_semaphore, #tpu.memory_space<semaphore_mem>>, %arg23: memref<!tpu.dma_semaphore, #tpu.memory_space<semaphore_mem>>, %arg24: memref<!tpu.dma_semaphore, #tpu.memory_space<semaphore_mem>>) attributes {dimension_semantics = [#tpu.dimension_semantics<core_parallel>, #tpu.dimension_semantics<subcore_parallel>], iteration_bounds = array<i64: 2, 16>, scalar_prefetch = 0 : i64, scratch_operands = 20 : i64, tpu.core_type = #tpu.core_type<sc_vector_subcore>, window_params = [{transform_indices = #map}, {transform_indices = #map}, {transform_indices = #map1}]} {
    %mul3A = arith.constant 2 : i32
    %mul3A_0 = arith.muli %arg1, %mul3A : i32
    %add3A = arith.addi %mul3A_0, %arg0 : i32
    %mul3A_1 = arith.constant 512 : i32
    %mul3A_2 = arith.muli %add3A, %mul3A_1 : i32
    %add3A_3 = arith.constant 0 : i32
    %add3A_4 = arith.addi %mul3A_2, %add3A_3 : i32
    %dma_start3A = arith.constant 0 : i32
    %dma_start3A_5 = tpu.memref_slice %arg3[%dma_start3A, %add3A_4] : memref<200x16384xi32, #tpu.memory_space<hbm>> -> memref<1x128xi32, #tpu.memory_space<hbm>>
    %dma_start3A_6 = tpu.memref_squeeze %dma_start3A_5 : memref<1x128xi32, #tpu.memory_space<hbm>> -> memref<128xi32, #tpu.memory_space<hbm>>
    %dma_start3A_7 = tpu.memref_slice %arg3[%dma_start3A, %add3A_4] : memref<200x16384xi32, #tpu.memory_space<hbm>> -> memref<1x128xi32, #tpu.memory_space<hbm>>
    %dma_start3A_8 = tpu.memref_squeeze %dma_start3A_7 : memref<1x128xi32, #tpu.memory_space<hbm>> -> memref<128xi32, #tpu.memory_space<hbm>>
    tpu.enqueue_dma source(%dma_start3A_8 : memref<128xi32, #tpu.memory_space<hbm>>) target(%arg5 : memref<128xi32, #tpu.memory_space<vmem>>) target_semaphore(%arg13 : memref<!tpu.dma_semaphore, #tpu.memory_space<semaphore_mem>>)
    %add3A_9 = arith.constant 128 : i32
    %add3A_10 = arith.addi %mul3A_2, %add3A_9 : i32
    %dma_start3A_11 = arith.constant 0 : i32
    %dma_start3A_12 = tpu.memref_slice %arg3[%dma_start3A_11, %add3A_10] : memref<200x16384xi32, #tpu.memory_space<hbm>> -> memref<1x128xi32, #tpu.memory_space<hbm>>
    %dma_start3A_13 = tpu.memref_squeeze %dma_start3A_12 : memref<1x128xi32, #tpu.memory_space<hbm>> -> memref<128xi32, #tpu.memory_space<hbm>>
    %dma_start3A_14 = tpu.memref_slice %arg3[%dma_start3A_11, %add3A_10] : memref<200x16384xi32, #tpu.memory_space<hbm>> -> memref<1x128xi32, #tpu.memory_space<hbm>>
    %dma_start3A_15 = tpu.memref_squeeze %dma_start3A_14 : memref<1x128xi32, #tpu.memory_space<hbm>> -> memref<128xi32, #tpu.memory_space<hbm>>
    tpu.enqueue_dma source(%dma_start3A_15 : memref<128xi32, #tpu.memory_space<hbm>>) target(%arg6 : memref<128xi32, #tpu.memory_space<vmem>>) target_semaphore(%arg14 : memref<!tpu.dma_semaphore, #tpu.memory_space<semaphore_mem>>)
    %add3A_16 = arith.constant 256 : i32
    %add3A_17 = arith.addi %mul3A_2, %add3A_16 : i32
    %dma_start3A_18 = arith.constant 0 : i32
    %dma_start3A_19 = tpu.memref_slice %arg3[%dma_start3A_18, %add3A_17] : memref<200x16384xi32, #tpu.memory_space<hbm>> -> memref<1x128xi32, #tpu.memory_space<hbm>>
    %dma_start3A_20 = tpu.memref_squeeze %dma_start3A_19 : memref<1x128xi32, #tpu.memory_space<hbm>> -> memref<128xi32, #tpu.memory_space<hbm>>
    %dma_start3A_21 = tpu.memref_slice %arg3[%dma_start3A_18, %add3A_17] : memref<200x16384xi32, #tpu.memory_space<hbm>> -> memref<1x128xi32, #tpu.memory_space<hbm>>
    %dma_start3A_22 = tpu.memref_squeeze %dma_start3A_21 : memref<1x128xi32, #tpu.memory_space<hbm>> -> memref<128xi32, #tpu.memory_space<hbm>>
    tpu.enqueue_dma source(%dma_start3A_22 : memref<128xi32, #tpu.memory_space<hbm>>) target(%arg7 : memref<128xi32, #tpu.memory_space<vmem>>) target_semaphore(%arg15 : memref<!tpu.dma_semaphore, #tpu.memory_space<semaphore_mem>>)
    %add3A_23 = arith.constant 384 : i32
    %add3A_24 = arith.addi %mul3A_2, %add3A_23 : i32
    %dma_start3A_25 = arith.constant 0 : i32
    %dma_start3A_26 = tpu.memref_slice %arg3[%dma_start3A_25, %add3A_24] : memref<200x16384xi32, #tpu.memory_space<hbm>> -> memref<1x128xi32, #tpu.memory_space<hbm>>
    %dma_start3A_27 = tpu.memref_squeeze %dma_start3A_26 : memref<1x128xi32, #tpu.memory_space<hbm>> -> memref<128xi32, #tpu.memory_space<hbm>>
    %dma_start3A_28 = tpu.memref_slice %arg3[%dma_start3A_25, %add3A_24] : memref<200x16384xi32, #tpu.memory_space<hbm>> -> memref<1x128xi32, #tpu.memory_space<hbm>>
    %dma_start3A_29 = tpu.memref_squeeze %dma_start3A_28 : memref<1x128xi32, #tpu.memory_space<hbm>> -> memref<128xi32, #tpu.memory_space<hbm>>
    tpu.enqueue_dma source(%dma_start3A_29 : memref<128xi32, #tpu.memory_space<hbm>>) target(%arg8 : memref<128xi32, #tpu.memory_space<vmem>>) target_semaphore(%arg16 : memref<!tpu.dma_semaphore, #tpu.memory_space<semaphore_mem>>)
    %add3A_30 = arith.constant 0 : i32
    %add3A_31 = arith.addi %mul3A_2, %add3A_30 : i32
    %dma_wait3A = arith.constant 0 : i32
    %dma_wait3A_32 = tpu.memref_slice %arg3[%dma_wait3A, %add3A_31] : memref<200x16384xi32, #tpu.memory_space<hbm>> -> memref<1x128xi32, #tpu.memory_space<hbm>>
    %dma_wait3A_33 = tpu.memref_squeeze %dma_wait3A_32 : memref<1x128xi32, #tpu.memory_space<hbm>> -> memref<128xi32, #tpu.memory_space<hbm>>
    %dma_wait3A_34 = tpu.memref_slice %arg3[%dma_wait3A, %add3A_31] : memref<200x16384xi32, #tpu.memory_space<hbm>> -> memref<1x128xi32, #tpu.memory_space<hbm>>
    %dma_wait3A_35 = tpu.memref_squeeze %dma_wait3A_34 : memref<1x128xi32, #tpu.memory_space<hbm>> -> memref<128xi32, #tpu.memory_space<hbm>>
    tpu.wait_dma2 semaphore(%arg13 : memref<!tpu.dma_semaphore, #tpu.memory_space<semaphore_mem>>) src(%dma_wait3A_35 : memref<128xi32, #tpu.memory_space<hbm>>) dst(%arg5 : memref<128xi32, #tpu.memory_space<vmem>>)
    %dma_start3A_36 = arith.constant 0 : i32
    %dma_start3A_37 = arith.constant 0 : i32
    %dma_start3A_38 = tpu.memref_slice %arg2[%dma_start3A_36, %dma_start3A_37] : memref<1000000x128xf32, #tpu.memory_space<hbm>> -> memref<1000000x128xf32, #tpu.memory_space<hbm>>
    tpu.enqueue_indirect_dma source(%dma_start3A_38 : memref<1000000x128xf32, #tpu.memory_space<hbm>>) target(%arg9 : memref<128x128xf32, #tpu.memory_space<vmem>>) offsets(%arg5 : memref<128xi32, #tpu.memory_space<vmem>>) semaphore(%arg17 : memref<!tpu.dma_semaphore, #tpu.memory_space<semaphore_mem>>)
    %add3A_39 = arith.constant 128 : i32
    %add3A_40 = arith.addi %mul3A_2, %add3A_39 : i32
    %dma_wait3A_41 = arith.constant 0 : i32
    %dma_wait3A_42 = tpu.memref_slice %arg3[%dma_wait3A_41, %add3A_40] : memref<200x16384xi32, #tpu.memory_space<hbm>> -> memref<1x128xi32, #tpu.memory_space<hbm>>
    %dma_wait3A_43 = tpu.memref_squeeze %dma_wait3A_42 : memref<1x128xi32, #tpu.memory_space<hbm>> -> memref<128xi32, #tpu.memory_space<hbm>>
    %dma_wait3A_44 = tpu.memref_slice %arg3[%dma_wait3A_41, %add3A_40] : memref<200x16384xi32, #tpu.memory_space<hbm>> -> memref<1x128xi32, #tpu.memory_space<hbm>>
    %dma_wait3A_45 = tpu.memref_squeeze %dma_wait3A_44 : memref<1x128xi32, #tpu.memory_space<hbm>> -> memref<128xi32, #tpu.memory_space<hbm>>
    tpu.wait_dma2 semaphore(%arg14 : memref<!tpu.dma_semaphore, #tpu.memory_space<semaphore_mem>>) src(%dma_wait3A_45 : memref<128xi32, #tpu.memory_space<hbm>>) dst(%arg6 : memref<128xi32, #tpu.memory_space<vmem>>)
    %dma_start3A_46 = arith.constant 0 : i32
    %dma_start3A_47 = arith.constant 0 : i32
    %dma_start3A_48 = tpu.memref_slice %arg2[%dma_start3A_46, %dma_start3A_47] : memref<1000000x128xf32, #tpu.memory_space<hbm>> -> memref<1000000x128xf32, #tpu.memory_space<hbm>>
    tpu.enqueue_indirect_dma source(%dma_start3A_48 : memref<1000000x128xf32, #tpu.memory_space<hbm>>) target(%arg10 : memref<128x128xf32, #tpu.memory_space<vmem>>) offsets(%arg6 : memref<128xi32, #tpu.memory_space<vmem>>) semaphore(%arg18 : memref<!tpu.dma_semaphore, #tpu.memory_space<semaphore_mem>>)
    %add3A_49 = arith.constant 256 : i32
    %add3A_50 = arith.addi %mul3A_2, %add3A_49 : i32
    %dma_wait3A_51 = arith.constant 0 : i32
    %dma_wait3A_52 = tpu.memref_slice %arg3[%dma_wait3A_51, %add3A_50] : memref<200x16384xi32, #tpu.memory_space<hbm>> -> memref<1x128xi32, #tpu.memory_space<hbm>>
    %dma_wait3A_53 = tpu.memref_squeeze %dma_wait3A_52 : memref<1x128xi32, #tpu.memory_space<hbm>> -> memref<128xi32, #tpu.memory_space<hbm>>
    %dma_wait3A_54 = tpu.memref_slice %arg3[%dma_wait3A_51, %add3A_50] : memref<200x16384xi32, #tpu.memory_space<hbm>> -> memref<1x128xi32, #tpu.memory_space<hbm>>
    %dma_wait3A_55 = tpu.memref_squeeze %dma_wait3A_54 : memref<1x128xi32, #tpu.memory_space<hbm>> -> memref<128xi32, #tpu.memory_space<hbm>>
    tpu.wait_dma2 semaphore(%arg15 : memref<!tpu.dma_semaphore, #tpu.memory_space<semaphore_mem>>) src(%dma_wait3A_55 : memref<128xi32, #tpu.memory_space<hbm>>) dst(%arg7 : memref<128xi32, #tpu.memory_space<vmem>>)
    %dma_start3A_56 = arith.constant 0 : i32
    %dma_start3A_57 = arith.constant 0 : i32
    %dma_start3A_58 = tpu.memref_slice %arg2[%dma_start3A_56, %dma_start3A_57] : memref<1000000x128xf32, #tpu.memory_space<hbm>> -> memref<1000000x128xf32, #tpu.memory_space<hbm>>
    tpu.enqueue_indirect_dma source(%dma_start3A_58 : memref<1000000x128xf32, #tpu.memory_space<hbm>>) target(%arg11 : memref<128x128xf32, #tpu.memory_space<vmem>>) offsets(%arg7 : memref<128xi32, #tpu.memory_space<vmem>>) semaphore(%arg19 : memref<!tpu.dma_semaphore, #tpu.memory_space<semaphore_mem>>)
    %scan3A = arith.constant 0 : i32
    %scan3A_59 = arith.constant 0 : i32
    %scan3A_60 = arith.constant 200 : i32
    %scan3A_61 = arith.addi %scan3A_59, %scan3A_60 : i32
    %scan3A_62 = arith.constant 1 : i32
    scf.for %scan3A_73 = %scan3A_59 to %scan3A_61 step %scan3A_62  : i32 {
      %dma_wait3A_74 = arith.constant 0 : i32
      %dma_wait3A_75 = arith.constant 0 : i32
      %dma_wait3A_76 = tpu.memref_slice %arg2[%dma_wait3A_74, %dma_wait3A_75] : memref<1000000x128xf32, #tpu.memory_space<hbm>> -> memref<1000000x128xf32, #tpu.memory_space<hbm>>
      tpu.wait_indirect_dma semaphore(%arg17 : memref<!tpu.dma_semaphore, #tpu.memory_space<semaphore_mem>>) src(%dma_wait3A_76 : memref<1000000x128xf32, #tpu.memory_space<hbm>>) dst(%arg9 : memref<128x128xf32, #tpu.memory_space<vmem>>)
      %lt3A = arith.constant 199 : i32
      %lt3A_77 = arith.cmpi slt, %scan3A_73, %lt3A : i32
      %convert_element_type3A = arith.extui %lt3A_77 : i1 to i32
      %cond3A = arith.constant 0 : i32
      %cond3A_78 = arith.cmpi ne, %convert_element_type3A, %cond3A : i32
      scf.if %cond3A_78 {
        %add3A_188 = arith.constant 1 : i32
        %add3A_189 = arith.addi %scan3A_73, %add3A_188 : i32
        %add3A_190 = arith.constant 0 : i32
        %add3A_191 = arith.addi %mul3A_2, %add3A_190 : i32
        %dma_start3A_192 = tpu.memref_slice %arg3[%add3A_189, %add3A_191] : memref<200x16384xi32, #tpu.memory_space<hbm>> -> memref<1x128xi32, #tpu.memory_space<hbm>>
        %dma_start3A_193 = tpu.memref_squeeze %dma_start3A_192 : memref<1x128xi32, #tpu.memory_space<hbm>> -> memref<128xi32, #tpu.memory_space<hbm>>
        %dma_start3A_194 = tpu.memref_slice %arg3[%add3A_189, %add3A_191] : memref<200x16384xi32, #tpu.memory_space<hbm>> -> memref<1x128xi32, #tpu.memory_space<hbm>>
        %dma_start3A_195 = tpu.memref_squeeze %dma_start3A_194 : memref<1x128xi32, #tpu.memory_space<hbm>> -> memref<128xi32, #tpu.memory_space<hbm>>
        tpu.enqueue_dma source(%dma_start3A_195 : memref<128xi32, #tpu.memory_space<hbm>>) target(%arg5 : memref<128xi32, #tpu.memory_space<vmem>>) target_semaphore(%arg13 : memref<!tpu.dma_semaphore, #tpu.memory_space<semaphore_mem>>)
      } else {
      }
      %ge3A = arith.constant 1 : i32
      %ge3A_79 = arith.cmpi sge, %scan3A_73, %ge3A : i32
      %convert_element_type3A_80 = arith.extui %ge3A_79 : i1 to i32
      %cond3A_81 = arith.constant 0 : i32
      %cond3A_82 = arith.cmpi ne, %convert_element_type3A_80, %cond3A_81 : i32
      scf.if %cond3A_82 {
        %sub3A = arith.constant 1 : i32
        %sub3A_188 = arith.subi %scan3A_73, %sub3A : i32
        %add3A_189 = arith.constant 384 : i32
        %add3A_190 = arith.addi %mul3A_2, %add3A_189 : i32
        %dma_wait3A_191 = arith.constant 0 : i32
        %dma_wait3A_192 = tpu.memref_slice %arg4[%sub3A_188, %add3A_190, %dma_wait3A_191] : memref<200x16384x128xf32, #tpu.memory_space<hbm>> -> memref<1x128x128xf32, #tpu.memory_space<hbm>>
        %dma_wait3A_193 = tpu.memref_squeeze %dma_wait3A_192 : memref<1x128x128xf32, #tpu.memory_space<hbm>> -> memref<128x128xf32, #tpu.memory_space<hbm>>
        %dma_wait3A_194 = arith.constant 0 : i32
        %dma_wait3A_195 = tpu.memref_slice %arg4[%sub3A_188, %add3A_190, %dma_wait3A_194] : memref<200x16384x128xf32, #tpu.memory_space<hbm>> -> memref<1x128x128xf32, #tpu.memory_space<hbm>>
        %dma_wait3A_196 = tpu.memref_squeeze %dma_wait3A_195 : memref<1x128x128xf32, #tpu.memory_space<hbm>> -> memref<128x128xf32, #tpu.memory_space<hbm>>
        tpu.wait_dma2 semaphore(%arg24 : memref<!tpu.dma_semaphore, #tpu.memory_space<semaphore_mem>>) src(%arg12 : memref<128x128xf32, #tpu.memory_space<vmem>>) dst(%dma_wait3A_196 : memref<128x128xf32, #tpu.memory_space<hbm>>)
      } else {
      }
      %add3A_83 = arith.constant 384 : i32
      %add3A_84 = arith.addi %mul3A_2, %add3A_83 : i32
      %dma_wait3A_85 = arith.constant 0 : i32
      %dma_wait3A_86 = tpu.memref_slice %arg3[%dma_wait3A_85, %add3A_84] : memref<200x16384xi32, #tpu.memory_space<hbm>> -> memref<1x128xi32, #tpu.memory_space<hbm>>
      %dma_wait3A_87 = tpu.memref_squeeze %dma_wait3A_86 : memref<1x128xi32, #tpu.memory_space<hbm>> -> memref<128xi32, #tpu.memory_space<hbm>>
      %dma_wait3A_88 = tpu.memref_slice %arg3[%dma_wait3A_85, %add3A_84] : memref<200x16384xi32, #tpu.memory_space<hbm>> -> memref<1x128xi32, #tpu.memory_space<hbm>>
      %dma_wait3A_89 = tpu.memref_squeeze %dma_wait3A_88 : memref<1x128xi32, #tpu.memory_space<hbm>> -> memref<128xi32, #tpu.memory_space<hbm>>
      tpu.wait_dma2 semaphore(%arg16 : memref<!tpu.dma_semaphore, #tpu.memory_space<semaphore_mem>>) src(%dma_wait3A_89 : memref<128xi32, #tpu.memory_space<hbm>>) dst(%arg8 : memref<128xi32, #tpu.memory_space<vmem>>)
      %dma_start3A_90 = arith.constant 0 : i32
      %dma_start3A_91 = arith.constant 0 : i32
      %dma_start3A_92 = tpu.memref_slice %arg2[%dma_start3A_90, %dma_start3A_91] : memref<1000000x128xf32, #tpu.memory_space<hbm>> -> memref<1000000x128xf32, #tpu.memory_space<hbm>>
      tpu.enqueue_indirect_dma source(%dma_start3A_92 : memref<1000000x128xf32, #tpu.memory_space<hbm>>) target(%arg12 : memref<128x128xf32, #tpu.memory_space<vmem>>) offsets(%arg8 : memref<128xi32, #tpu.memory_space<vmem>>) semaphore(%arg20 : memref<!tpu.dma_semaphore, #tpu.memory_space<semaphore_mem>>)
      %add3A_93 = arith.constant 0 : i32
      %add3A_94 = arith.addi %mul3A_2, %add3A_93 : i32
      %dma_start3A_95 = arith.constant 0 : i32
      %dma_start3A_96 = tpu.memref_slice %arg4[%scan3A_73, %add3A_94, %dma_start3A_95] : memref<200x16384x128xf32, #tpu.memory_space<hbm>> -> memref<1x128x128xf32, #tpu.memory_space<hbm>>
      %dma_start3A_97 = tpu.memref_squeeze %dma_start3A_96 : memref<1x128x128xf32, #tpu.memory_space<hbm>> -> memref<128x128xf32, #tpu.memory_space<hbm>>
      %dma_start3A_98 = arith.constant 0 : i32
      %dma_start3A_99 = tpu.memref_slice %arg4[%scan3A_73, %add3A_94, %dma_start3A_98] : memref<200x16384x128xf32, #tpu.memory_space<hbm>> -> memref<1x128x128xf32, #tpu.memory_space<hbm>>
      %dma_start3A_100 = tpu.memref_squeeze %dma_start3A_99 : memref<1x128x128xf32, #tpu.memory_space<hbm>> -> memref<128x128xf32, #tpu.memory_space<hbm>>
      tpu.enqueue_dma source(%arg9 : memref<128x128xf32, #tpu.memory_space<vmem>>) target(%dma_start3A_100 : memref<128x128xf32, #tpu.memory_space<hbm>>) target_semaphore(%arg21 : memref<!tpu.dma_semaphore, #tpu.memory_space<semaphore_mem>>)
      %dma_wait3A_101 = arith.constant 0 : i32
      %dma_wait3A_102 = arith.constant 0 : i32
      %dma_wait3A_103 = tpu.memref_slice %arg2[%dma_wait3A_101, %dma_wait3A_102] : memref<1000000x128xf32, #tpu.memory_space<hbm>> -> memref<1000000x128xf32, #tpu.memory_space<hbm>>
      tpu.wait_indirect_dma semaphore(%arg18 : memref<!tpu.dma_semaphore, #tpu.memory_space<semaphore_mem>>) src(%dma_wait3A_103 : memref<1000000x128xf32, #tpu.memory_space<hbm>>) dst(%arg10 : memref<128x128xf32, #tpu.memory_space<vmem>>)
      %lt3A_104 = arith.constant 199 : i32
      %lt3A_105 = arith.cmpi slt, %scan3A_73, %lt3A_104 : i32
      %convert_element_type3A_106 = arith.extui %lt3A_105 : i1 to i32
      %cond3A_107 = arith.constant 0 : i32
      %cond3A_108 = arith.cmpi ne, %convert_element_type3A_106, %cond3A_107 : i32
      scf.if %cond3A_108 {
        %add3A_188 = arith.constant 1 : i32
        %add3A_189 = arith.addi %scan3A_73, %add3A_188 : i32
        %add3A_190 = arith.constant 128 : i32
        %add3A_191 = arith.addi %mul3A_2, %add3A_190 : i32
        %dma_start3A_192 = tpu.memref_slice %arg3[%add3A_189, %add3A_191] : memref<200x16384xi32, #tpu.memory_space<hbm>> -> memref<1x128xi32, #tpu.memory_space<hbm>>
        %dma_start3A_193 = tpu.memref_squeeze %dma_start3A_192 : memref<1x128xi32, #tpu.memory_space<hbm>> -> memref<128xi32, #tpu.memory_space<hbm>>
        %dma_start3A_194 = tpu.memref_slice %arg3[%add3A_189, %add3A_191] : memref<200x16384xi32, #tpu.memory_space<hbm>> -> memref<1x128xi32, #tpu.memory_space<hbm>>
        %dma_start3A_195 = tpu.memref_squeeze %dma_start3A_194 : memref<1x128xi32, #tpu.memory_space<hbm>> -> memref<128xi32, #tpu.memory_space<hbm>>
        tpu.enqueue_dma source(%dma_start3A_195 : memref<128xi32, #tpu.memory_space<hbm>>) target(%arg6 : memref<128xi32, #tpu.memory_space<vmem>>) target_semaphore(%arg14 : memref<!tpu.dma_semaphore, #tpu.memory_space<semaphore_mem>>)
      } else {
      }
      %add3A_109 = arith.constant 0 : i32
      %add3A_110 = arith.addi %mul3A_2, %add3A_109 : i32
      %dma_wait3A_111 = arith.constant 0 : i32
      %dma_wait3A_112 = tpu.memref_slice %arg4[%scan3A_73, %add3A_110, %dma_wait3A_111] : memref<200x16384x128xf32, #tpu.memory_space<hbm>> -> memref<1x128x128xf32, #tpu.memory_space<hbm>>
      %dma_wait3A_113 = tpu.memref_squeeze %dma_wait3A_112 : memref<1x128x128xf32, #tpu.memory_space<hbm>> -> memref<128x128xf32, #tpu.memory_space<hbm>>
      %dma_wait3A_114 = arith.constant 0 : i32
      %dma_wait3A_115 = tpu.memref_slice %arg4[%scan3A_73, %add3A_110, %dma_wait3A_114] : memref<200x16384x128xf32, #tpu.memory_space<hbm>> -> memref<1x128x128xf32, #tpu.memory_space<hbm>>
      %dma_wait3A_116 = tpu.memref_squeeze %dma_wait3A_115 : memref<1x128x128xf32, #tpu.memory_space<hbm>> -> memref<128x128xf32, #tpu.memory_space<hbm>>
      tpu.wait_dma2 semaphore(%arg21 : memref<!tpu.dma_semaphore, #tpu.memory_space<semaphore_mem>>) src(%arg9 : memref<128x128xf32, #tpu.memory_space<vmem>>) dst(%dma_wait3A_116 : memref<128x128xf32, #tpu.memory_space<hbm>>)
      %lt3A_117 = arith.constant 199 : i32
      %lt3A_118 = arith.cmpi slt, %scan3A_73, %lt3A_117 : i32
      %convert_element_type3A_119 = arith.extui %lt3A_118 : i1 to i32
      %cond3A_120 = arith.constant 0 : i32
      %cond3A_121 = arith.cmpi ne, %convert_element_type3A_119, %cond3A_120 : i32
      scf.if %cond3A_121 {
        %add3A_188 = arith.constant 0 : i32
        %add3A_189 = arith.addi %mul3A_2, %add3A_188 : i32
        %dma_wait3A_190 = arith.constant 0 : i32
        %dma_wait3A_191 = tpu.memref_slice %arg3[%dma_wait3A_190, %add3A_189] : memref<200x16384xi32, #tpu.memory_space<hbm>> -> memref<1x128xi32, #tpu.memory_space<hbm>>
        %dma_wait3A_192 = tpu.memref_squeeze %dma_wait3A_191 : memref<1x128xi32, #tpu.memory_space<hbm>> -> memref<128xi32, #tpu.memory_space<hbm>>
        %dma_wait3A_193 = tpu.memref_slice %arg3[%dma_wait3A_190, %add3A_189] : memref<200x16384xi32, #tpu.memory_space<hbm>> -> memref<1x128xi32, #tpu.memory_space<hbm>>
        %dma_wait3A_194 = tpu.memref_squeeze %dma_wait3A_193 : memref<1x128xi32, #tpu.memory_space<hbm>> -> memref<128xi32, #tpu.memory_space<hbm>>
        tpu.wait_dma2 semaphore(%arg13 : memref<!tpu.dma_semaphore, #tpu.memory_space<semaphore_mem>>) src(%dma_wait3A_194 : memref<128xi32, #tpu.memory_space<hbm>>) dst(%arg5 : memref<128xi32, #tpu.memory_space<vmem>>)
        %dma_start3A_195 = arith.constant 0 : i32
        %dma_start3A_196 = arith.constant 0 : i32
        %dma_start3A_197 = tpu.memref_slice %arg2[%dma_start3A_195, %dma_start3A_196] : memref<1000000x128xf32, #tpu.memory_space<hbm>> -> memref<1000000x128xf32, #tpu.memory_space<hbm>>
        tpu.enqueue_indirect_dma source(%dma_start3A_197 : memref<1000000x128xf32, #tpu.memory_space<hbm>>) target(%arg9 : memref<128x128xf32, #tpu.memory_space<vmem>>) offsets(%arg5 : memref<128xi32, #tpu.memory_space<vmem>>) semaphore(%arg17 : memref<!tpu.dma_semaphore, #tpu.memory_space<semaphore_mem>>)
      } else {
      }
      %add3A_122 = arith.constant 128 : i32
      %add3A_123 = arith.addi %mul3A_2, %add3A_122 : i32
      %dma_start3A_124 = arith.constant 0 : i32
      %dma_start3A_125 = tpu.memref_slice %arg4[%scan3A_73, %add3A_123, %dma_start3A_124] : memref<200x16384x128xf32, #tpu.memory_space<hbm>> -> memref<1x128x128xf32, #tpu.memory_space<hbm>>
      %dma_start3A_126 = tpu.memref_squeeze %dma_start3A_125 : memref<1x128x128xf32, #tpu.memory_space<hbm>> -> memref<128x128xf32, #tpu.memory_space<hbm>>
      %dma_start3A_127 = arith.constant 0 : i32
      %dma_start3A_128 = tpu.memref_slice %arg4[%scan3A_73, %add3A_123, %dma_start3A_127] : memref<200x16384x128xf32, #tpu.memory_space<hbm>> -> memref<1x128x128xf32, #tpu.memory_space<hbm>>
      %dma_start3A_129 = tpu.memref_squeeze %dma_start3A_128 : memref<1x128x128xf32, #tpu.memory_space<hbm>> -> memref<128x128xf32, #tpu.memory_space<hbm>>
      tpu.enqueue_dma source(%arg10 : memref<128x128xf32, #tpu.memory_space<vmem>>) target(%dma_start3A_129 : memref<128x128xf32, #tpu.memory_space<hbm>>) target_semaphore(%arg22 : memref<!tpu.dma_semaphore, #tpu.memory_space<semaphore_mem>>)
      %dma_wait3A_130 = arith.constant 0 : i32
      %dma_wait3A_131 = arith.constant 0 : i32
      %dma_wait3A_132 = tpu.memref_slice %arg2[%dma_wait3A_130, %dma_wait3A_131] : memref<1000000x128xf32, #tpu.memory_space<hbm>> -> memref<1000000x128xf32, #tpu.memory_space<hbm>>
      tpu.wait_indirect_dma semaphore(%arg19 : memref<!tpu.dma_semaphore, #tpu.memory_space<semaphore_mem>>) src(%dma_wait3A_132 : memref<1000000x128xf32, #tpu.memory_space<hbm>>) dst(%arg11 : memref<128x128xf32, #tpu.memory_space<vmem>>)
      %lt3A_133 = arith.constant 199 : i32
      %lt3A_134 = arith.cmpi slt, %scan3A_73, %lt3A_133 : i32
      %convert_element_type3A_135 = arith.extui %lt3A_134 : i1 to i32
      %cond3A_136 = arith.constant 0 : i32
      %cond3A_137 = arith.cmpi ne, %convert_element_type3A_135, %cond3A_136 : i32
      scf.if %cond3A_137 {
        %add3A_188 = arith.constant 1 : i32
        %add3A_189 = arith.addi %scan3A_73, %add3A_188 : i32
        %add3A_190 = arith.constant 256 : i32
        %add3A_191 = arith.addi %mul3A_2, %add3A_190 : i32
        %dma_start3A_192 = tpu.memref_slice %arg3[%add3A_189, %add3A_191] : memref<200x16384xi32, #tpu.memory_space<hbm>> -> memref<1x128xi32, #tpu.memory_space<hbm>>
        %dma_start3A_193 = tpu.memref_squeeze %dma_start3A_192 : memref<1x128xi32, #tpu.memory_space<hbm>> -> memref<128xi32, #tpu.memory_space<hbm>>
        %dma_start3A_194 = tpu.memref_slice %arg3[%add3A_189, %add3A_191] : memref<200x16384xi32, #tpu.memory_space<hbm>> -> memref<1x128xi32, #tpu.memory_space<hbm>>
        %dma_start3A_195 = tpu.memref_squeeze %dma_start3A_194 : memref<1x128xi32, #tpu.memory_space<hbm>> -> memref<128xi32, #tpu.memory_space<hbm>>
        tpu.enqueue_dma source(%dma_start3A_195 : memref<128xi32, #tpu.memory_space<hbm>>) target(%arg7 : memref<128xi32, #tpu.memory_space<vmem>>) target_semaphore(%arg15 : memref<!tpu.dma_semaphore, #tpu.memory_space<semaphore_mem>>)
      } else {
      }
      %add3A_138 = arith.constant 128 : i32
      %add3A_139 = arith.addi %mul3A_2, %add3A_138 : i32
      %dma_wait3A_140 = arith.constant 0 : i32
      %dma_wait3A_141 = tpu.memref_slice %arg4[%scan3A_73, %add3A_139, %dma_wait3A_140] : memref<200x16384x128xf32, #tpu.memory_space<hbm>> -> memref<1x128x128xf32, #tpu.memory_space<hbm>>
      %dma_wait3A_142 = tpu.memref_squeeze %dma_wait3A_141 : memref<1x128x128xf32, #tpu.memory_space<hbm>> -> memref<128x128xf32, #tpu.memory_space<hbm>>
      %dma_wait3A_143 = arith.constant 0 : i32
      %dma_wait3A_144 = tpu.memref_slice %arg4[%scan3A_73, %add3A_139, %dma_wait3A_143] : memref<200x16384x128xf32, #tpu.memory_space<hbm>> -> memref<1x128x128xf32, #tpu.memory_space<hbm>>
      %dma_wait3A_145 = tpu.memref_squeeze %dma_wait3A_144 : memref<1x128x128xf32, #tpu.memory_space<hbm>> -> memref<128x128xf32, #tpu.memory_space<hbm>>
      tpu.wait_dma2 semaphore(%arg22 : memref<!tpu.dma_semaphore, #tpu.memory_space<semaphore_mem>>) src(%arg10 : memref<128x128xf32, #tpu.memory_space<vmem>>) dst(%dma_wait3A_145 : memref<128x128xf32, #tpu.memory_space<hbm>>)
      %lt3A_146 = arith.constant 199 : i32
      %lt3A_147 = arith.cmpi slt, %scan3A_73, %lt3A_146 : i32
      %convert_element_type3A_148 = arith.extui %lt3A_147 : i1 to i32
      %cond3A_149 = arith.constant 0 : i32
      %cond3A_150 = arith.cmpi ne, %convert_element_type3A_148, %cond3A_149 : i32
      scf.if %cond3A_150 {
        %add3A_188 = arith.constant 128 : i32
        %add3A_189 = arith.addi %mul3A_2, %add3A_188 : i32
        %dma_wait3A_190 = arith.constant 0 : i32
        %dma_wait3A_191 = tpu.memref_slice %arg3[%dma_wait3A_190, %add3A_189] : memref<200x16384xi32, #tpu.memory_space<hbm>> -> memref<1x128xi32, #tpu.memory_space<hbm>>
        %dma_wait3A_192 = tpu.memref_squeeze %dma_wait3A_191 : memref<1x128xi32, #tpu.memory_space<hbm>> -> memref<128xi32, #tpu.memory_space<hbm>>
        %dma_wait3A_193 = tpu.memref_slice %arg3[%dma_wait3A_190, %add3A_189] : memref<200x16384xi32, #tpu.memory_space<hbm>> -> memref<1x128xi32, #tpu.memory_space<hbm>>
        %dma_wait3A_194 = tpu.memref_squeeze %dma_wait3A_193 : memref<1x128xi32, #tpu.memory_space<hbm>> -> memref<128xi32, #tpu.memory_space<hbm>>
        tpu.wait_dma2 semaphore(%arg14 : memref<!tpu.dma_semaphore, #tpu.memory_space<semaphore_mem>>) src(%dma_wait3A_194 : memref<128xi32, #tpu.memory_space<hbm>>) dst(%arg6 : memref<128xi32, #tpu.memory_space<vmem>>)
        %dma_start3A_195 = arith.constant 0 : i32
        %dma_start3A_196 = arith.constant 0 : i32
        %dma_start3A_197 = tpu.memref_slice %arg2[%dma_start3A_195, %dma_start3A_196] : memref<1000000x128xf32, #tpu.memory_space<hbm>> -> memref<1000000x128xf32, #tpu.memory_space<hbm>>
        tpu.enqueue_indirect_dma source(%dma_start3A_197 : memref<1000000x128xf32, #tpu.memory_space<hbm>>) target(%arg10 : memref<128x128xf32, #tpu.memory_space<vmem>>) offsets(%arg6 : memref<128xi32, #tpu.memory_space<vmem>>) semaphore(%arg18 : memref<!tpu.dma_semaphore, #tpu.memory_space<semaphore_mem>>)
      } else {
      }
      %add3A_151 = arith.constant 256 : i32
      %add3A_152 = arith.addi %mul3A_2, %add3A_151 : i32
      %dma_start3A_153 = arith.constant 0 : i32
      %dma_start3A_154 = tpu.memref_slice %arg4[%scan3A_73, %add3A_152, %dma_start3A_153] : memref<200x16384x128xf32, #tpu.memory_space<hbm>> -> memref<1x128x128xf32, #tpu.memory_space<hbm>>
      %dma_start3A_155 = tpu.memref_squeeze %dma_start3A_154 : memref<1x128x128xf32, #tpu.memory_space<hbm>> -> memref<128x128xf32, #tpu.memory_space<hbm>>
      %dma_start3A_156 = arith.constant 0 : i32
      %dma_start3A_157 = tpu.memref_slice %arg4[%scan3A_73, %add3A_152, %dma_start3A_156] : memref<200x16384x128xf32, #tpu.memory_space<hbm>> -> memref<1x128x128xf32, #tpu.memory_space<hbm>>
      %dma_start3A_158 = tpu.memref_squeeze %dma_start3A_157 : memref<1x128x128xf32, #tpu.memory_space<hbm>> -> memref<128x128xf32, #tpu.memory_space<hbm>>
      tpu.enqueue_dma source(%arg11 : memref<128x128xf32, #tpu.memory_space<vmem>>) target(%dma_start3A_158 : memref<128x128xf32, #tpu.memory_space<hbm>>) target_semaphore(%arg23 : memref<!tpu.dma_semaphore, #tpu.memory_space<semaphore_mem>>)
      %dma_wait3A_159 = arith.constant 0 : i32
      %dma_wait3A_160 = arith.constant 0 : i32
      %dma_wait3A_161 = tpu.memref_slice %arg2[%dma_wait3A_159, %dma_wait3A_160] : memref<1000000x128xf32, #tpu.memory_space<hbm>> -> memref<1000000x128xf32, #tpu.memory_space<hbm>>
      tpu.wait_indirect_dma semaphore(%arg20 : memref<!tpu.dma_semaphore, #tpu.memory_space<semaphore_mem>>) src(%dma_wait3A_161 : memref<1000000x128xf32, #tpu.memory_space<hbm>>) dst(%arg12 : memref<128x128xf32, #tpu.memory_space<vmem>>)
      %lt3A_162 = arith.constant 199 : i32
      %lt3A_163 = arith.cmpi slt, %scan3A_73, %lt3A_162 : i32
      %convert_element_type3A_164 = arith.extui %lt3A_163 : i1 to i32
      %cond3A_165 = arith.constant 0 : i32
      %cond3A_166 = arith.cmpi ne, %convert_element_type3A_164, %cond3A_165 : i32
      scf.if %cond3A_166 {
        %add3A_188 = arith.constant 1 : i32
        %add3A_189 = arith.addi %scan3A_73, %add3A_188 : i32
        %add3A_190 = arith.constant 384 : i32
        %add3A_191 = arith.addi %mul3A_2, %add3A_190 : i32
        %dma_start3A_192 = tpu.memref_slice %arg3[%add3A_189, %add3A_191] : memref<200x16384xi32, #tpu.memory_space<hbm>> -> memref<1x128xi32, #tpu.memory_space<hbm>>
        %dma_start3A_193 = tpu.memref_squeeze %dma_start3A_192 : memref<1x128xi32, #tpu.memory_space<hbm>> -> memref<128xi32, #tpu.memory_space<hbm>>
        %dma_start3A_194 = tpu.memref_slice %arg3[%add3A_189, %add3A_191] : memref<200x16384xi32, #tpu.memory_space<hbm>> -> memref<1x128xi32, #tpu.memory_space<hbm>>
        %dma_start3A_195 = tpu.memref_squeeze %dma_start3A_194 : memref<1x128xi32, #tpu.memory_space<hbm>> -> memref<128xi32, #tpu.memory_space<hbm>>
        tpu.enqueue_dma source(%dma_start3A_195 : memref<128xi32, #tpu.memory_space<hbm>>) target(%arg8 : memref<128xi32, #tpu.memory_space<vmem>>) target_semaphore(%arg16 : memref<!tpu.dma_semaphore, #tpu.memory_space<semaphore_mem>>)
      } else {
      }
      %add3A_167 = arith.constant 256 : i32
      %add3A_168 = arith.addi %mul3A_2, %add3A_167 : i32
      %dma_wait3A_169 = arith.constant 0 : i32
      %dma_wait3A_170 = tpu.memref_slice %arg4[%scan3A_73, %add3A_168, %dma_wait3A_169] : memref<200x16384x128xf32, #tpu.memory_space<hbm>> -> memref<1x128x128xf32, #tpu.memory_space<hbm>>
      %dma_wait3A_171 = tpu.memref_squeeze %dma_wait3A_170 : memref<1x128x128xf32, #tpu.memory_space<hbm>> -> memref<128x128xf32, #tpu.memory_space<hbm>>
      %dma_wait3A_172 = arith.constant 0 : i32
      %dma_wait3A_173 = tpu.memref_slice %arg4[%scan3A_73, %add3A_168, %dma_wait3A_172] : memref<200x16384x128xf32, #tpu.memory_space<hbm>> -> memref<1x128x128xf32, #tpu.memory_space<hbm>>
      %dma_wait3A_174 = tpu.memref_squeeze %dma_wait3A_173 : memref<1x128x128xf32, #tpu.memory_space<hbm>> -> memref<128x128xf32, #tpu.memory_space<hbm>>
      tpu.wait_dma2 semaphore(%arg23 : memref<!tpu.dma_semaphore, #tpu.memory_space<semaphore_mem>>) src(%arg11 : memref<128x128xf32, #tpu.memory_space<vmem>>) dst(%dma_wait3A_174 : memref<128x128xf32, #tpu.memory_space<hbm>>)
      %lt3A_175 = arith.constant 199 : i32
      %lt3A_176 = arith.cmpi slt, %scan3A_73, %lt3A_175 : i32
      %convert_element_type3A_177 = arith.extui %lt3A_176 : i1 to i32
      %cond3A_178 = arith.constant 0 : i32
      %cond3A_179 = arith.cmpi ne, %convert_element_type3A_177, %cond3A_178 : i32
      scf.if %cond3A_179 {
        %add3A_188 = arith.constant 256 : i32
        %add3A_189 = arith.addi %mul3A_2, %add3A_188 : i32
        %dma_wait3A_190 = arith.constant 0 : i32
        %dma_wait3A_191 = tpu.memref_slice %arg3[%dma_wait3A_190, %add3A_189] : memref<200x16384xi32, #tpu.memory_space<hbm>> -> memref<1x128xi32, #tpu.memory_space<hbm>>
        %dma_wait3A_192 = tpu.memref_squeeze %dma_wait3A_191 : memref<1x128xi32, #tpu.memory_space<hbm>> -> memref<128xi32, #tpu.memory_space<hbm>>
        %dma_wait3A_193 = tpu.memref_slice %arg3[%dma_wait3A_190, %add3A_189] : memref<200x16384xi32, #tpu.memory_space<hbm>> -> memref<1x128xi32, #tpu.memory_space<hbm>>
        %dma_wait3A_194 = tpu.memref_squeeze %dma_wait3A_193 : memref<1x128xi32, #tpu.memory_space<hbm>> -> memref<128xi32, #tpu.memory_space<hbm>>
        tpu.wait_dma2 semaphore(%arg15 : memref<!tpu.dma_semaphore, #tpu.memory_space<semaphore_mem>>) src(%dma_wait3A_194 : memref<128xi32, #tpu.memory_space<hbm>>) dst(%arg7 : memref<128xi32, #tpu.memory_space<vmem>>)
        %dma_start3A_195 = arith.constant 0 : i32
        %dma_start3A_196 = arith.constant 0 : i32
        %dma_start3A_197 = tpu.memref_slice %arg2[%dma_start3A_195, %dma_start3A_196] : memref<1000000x128xf32, #tpu.memory_space<hbm>> -> memref<1000000x128xf32, #tpu.memory_space<hbm>>
        tpu.enqueue_indirect_dma source(%dma_start3A_197 : memref<1000000x128xf32, #tpu.memory_space<hbm>>) target(%arg11 : memref<128x128xf32, #tpu.memory_space<vmem>>) offsets(%arg7 : memref<128xi32, #tpu.memory_space<vmem>>) semaphore(%arg19 : memref<!tpu.dma_semaphore, #tpu.memory_space<semaphore_mem>>)
      } else {
      }
      %add3A_180 = arith.constant 384 : i32
      %add3A_181 = arith.addi %mul3A_2, %add3A_180 : i32
      %dma_start3A_182 = arith.constant 0 : i32
      %dma_start3A_183 = tpu.memref_slice %arg4[%scan3A_73, %add3A_181, %dma_start3A_182] : memref<200x16384x128xf32, #tpu.memory_space<hbm>> -> memref<1x128x128xf32, #tpu.memory_space<hbm>>
      %dma_start3A_184 = tpu.memref_squeeze %dma_start3A_183 : memref<1x128x128xf32, #tpu.memory_space<hbm>> -> memref<128x128xf32, #tpu.memory_space<hbm>>
      %dma_start3A_185 = arith.constant 0 : i32
      %dma_start3A_186 = tpu.memref_slice %arg4[%scan3A_73, %add3A_181, %dma_start3A_185] : memref<200x16384x128xf32, #tpu.memory_space<hbm>> -> memref<1x128x128xf32, #tpu.memory_space<hbm>>
      %dma_start3A_187 = tpu.memref_squeeze %dma_start3A_186 : memref<1x128x128xf32, #tpu.memory_space<hbm>> -> memref<128x128xf32, #tpu.memory_space<hbm>>
      tpu.enqueue_dma source(%arg12 : memref<128x128xf32, #tpu.memory_space<vmem>>) target(%dma_start3A_187 : memref<128x128xf32, #tpu.memory_space<hbm>>) target_semaphore(%arg24 : memref<!tpu.dma_semaphore, #tpu.memory_space<semaphore_mem>>)
    }
    %scan3A_63 = arith.constant 200 : i32
    %add3A_64 = arith.constant 384 : i32
    %add3A_65 = arith.addi %mul3A_2, %add3A_64 : i32
    %dma_wait3A_66 = arith.constant 199 : i32
    %dma_wait3A_67 = arith.constant 0 : i32
    %dma_wait3A_68 = tpu.memref_slice %arg4[%dma_wait3A_66, %add3A_65, %dma_wait3A_67] : memref<200x16384x128xf32, #tpu.memory_space<hbm>> -> memref<1x128x128xf32, #tpu.memory_space<hbm>>
    %dma_wait3A_69 = tpu.memref_squeeze %dma_wait3A_68 : memref<1x128x128xf32, #tpu.memory_space<hbm>> -> memref<128x128xf32, #tpu.memory_space<hbm>>
    %dma_wait3A_70 = arith.constant 0 : i32
    %dma_wait3A_71 = tpu.memref_slice %arg4[%dma_wait3A_66, %add3A_65, %dma_wait3A_70] : memref<200x16384x128xf32, #tpu.memory_space<hbm>> -> memref<1x128x128xf32, #tpu.memory_space<hbm>>
    %dma_wait3A_72 = tpu.memref_squeeze %dma_wait3A_71 : memref<1x128x128xf32, #tpu.memory_space<hbm>> -> memref<128x128xf32, #tpu.memory_space<hbm>>
    tpu.wait_dma2 semaphore(%arg24 : memref<!tpu.dma_semaphore, #tpu.memory_space<semaphore_mem>>) src(%arg12 : memref<128x128xf32, #tpu.memory_space<vmem>>) dst(%dma_wait3A_72 : memref<128x128xf32, #tpu.memory_space<hbm>>)
    return
  }
}

</mosaic_0001>

<sc_bundles>
// kernel: _lookup.3.cloned.1.call-start
scs
__scs_entry_jumppad:
0x0: {  	(pc) =	sbr.rel $0x88, $3  }
0x1: {  	(tag) =	ssettag $0x0;
	lr =	simm.s32 $0x1  }
0x2: {  	[smem:$0x3F9F] =	sst lr;
	_ =	strace $0xD0000000  }
0x3: {  	_ = 	snop  }
0x4: {  	_ = 	snop  }
0x5: {  	_ = 	snop  }
0x6: {  	_ = 	snop  }
0x7: {  	_ = 	snop  }
__scs_overlays_trampoline_lowered:
0x8: {  	[smem:$0x3FAE] =	sst s0  }
0x9: {  	[smem:$0x3FAF] =	sst s1  }
0xa: {  	[smem:$0x3FB0] =	sst s2  }
0xb: {  	[smem:$0x3FB1] =	sst s3  }
0xc: {  	[smem:$0x3FB2] =	sst s4  }
0xd: {  	[smem:$0x3FB3] =	sst s5  }
0xe: {  	[smem:$0x3FB4] =	sst s6  }
0xf: {  	[smem:$0x3FB5] =	sst s7  }
0x10: {  	[smem:$0x3FB6] =	sst s8  }
0x11: {  	[smem:$0x3FB7] =	sst s9;
	s0 =	simm.s32 @!p0 $0x0  }
0x12: {  	s1 =	sld [smem:$0x3F9D];
	s0 =	simm.s32 @p0 $0x1  }
0x13: {  	[smem:$0x3FB8] =	sst s0;
	s0 =	simm.s32 @!p1 $0x0  }
0x14: {  	s2 =	sld [smem:$0x3F9C];
	s0 =	simm.s32 @p1 $0x1  }
0x15: {  	[smem:$0x3FB9] =	sst s0;
	s0 =	simm.s32 @!p2 $0x0  }
0x16: {  	s3 =	sld [smem:$0x3FDB];
	s0 =	simm.s32 @p2 $0x1  }
0x17: {  	s4 =	simm.s32 $0x1BF5;
	[smem:$0x3FBB] =	sst s0  }
0x18: {  	s0 =	sld [smem:$0x3F9E];
	_ =	swait.ge [sflag:s4], $0x0  }
0x19: {  	s7 =	sld [smem:$0x3F9F]  }
0x1a: {  	s8 =	sadd.s32 $0xFFFFE003, lr  }
0x1b: {  	s9 =	sadd.s32 $0xFFFFFEF7, lr;
	s5 =	simm.s32 $0xFFFFFFFF;
	p2 =	slt.u32 s8, $0xFFFFF086  }
0x1c: {  	p1 =	slt.u32 s9, $0xF7A;
	s5 =	simm.s32 @!p2 $0x0  }
0x1d: {  	s5 =	simm.s32 @p1 $0x1;
	p0 =	seq.s32 s7, s2  }
0x1e: {  	s7 =	smul.u32 @!p0 $0xF7A, s2;
	p2 =	seq.s32 @!p0 s5, $0x0  }
0x1f: {  	s9 =	smul.u32 $0xF7A, s1;
	s8 =	simm.s32 @!p0 $0x1BF5;
	p2 =	por !p2, p0  }
0x20: {  	[sflag:s8] =	ssyncset.s32 @!p0 $0xFFFFF086;
	s6 =	sadd.s32 @!p0 s3, s7;
	s7 =	simm.s32 @!p0 $0x108  }
0x21: {  	s3 =	sadd.s32 s3, s9;
	s6 =	sadd.s32 @!p0 $0x88, s6;
	s7 =	simm.s32 @p2 $0x1082  }
0x22: {  	[simem:s7], [sflag:s8] =	dma.local @!p0 [hbm:s6], $0xF7A  }
0x23: {  	s9 =	sor.u32 $0xD0000000, s2;
	s6 =	simm.s32 $0x108;
	_ =	swait.ge @!p0 [sflag:s8], $0x0  }
0x24: {  	s3 =	sadd.s32 $0x88, s3;
	s6 =	simm.s32 @!p1 $0x1082;
	[sflag:s4] =	ssyncset.s32 $0xFFFFF086  }
0x25: {  	[simem:s6], [sflag:s4] =	dma.local [hbm:s3], $0xF7A  }
0x26: {  	[smem:$0x3F9F] =	sst s1;
	(tag) =	ssettag s2;
	_ =	strace s9  }
0x27: {  	s1 =	sld [smem:$0x3FAF]  }
0x28: {  	s2 =	sld [smem:$0x3FB0]  }
0x29: {  	s4 =	sld [smem:$0x3FB2]  }
0x2a: {  	p0 =	seq.s32 s5, $0x0;
	s5 =	sld [smem:$0x3FB3]  }
0x2b: {  	s6 =	sld [smem:$0x3FB4]  }
0x2c: {  	s7 =	sld [smem:$0x3FB5]  }
0x2d: {  	s3 =	simm.s32 $0x108;
	s8 =	sld [smem:$0x3FB6]  }
0x2e: {  	s3 =	simm.s32 @!p0 $0x1082;
	s9 =	sld [smem:$0x3FB7]  }
0x2f: {  	lr =	sadd.s32 s0, s3;
	s0 =	sld [smem:$0x3FAE]  }
0x30: {  	s3 =	sld [smem:$0x3FB1]  }
0x31: {  	[smem:$0x3FBA] =	sst s10  }
0x32: {  	s10 =	sld [smem:$0x3FB8];
	_ =	sdelay $0x3  }
0x33: {  	p0 =	seq.s32 s10, $0x1;
	s10 =	sld [smem:$0x3FBA];
	_ =	sdelay $0x3  }
0x34: {  	[smem:$0x3FBA] =	sst s10  }
0x35: {  	s10 =	sld [smem:$0x3FB9];
	_ =	sdelay $0x3  }
0x36: {  	p1 =	seq.s32 s10, $0x1;
	s10 =	sld [smem:$0x3FBA];
	_ =	sdelay $0x3  }
0x37: {  	[smem:$0x3FBA] =	sst s10  }
0x38: {  	s10 =	sld [smem:$0x3FBB]  }
0x39: {  	_ = 	snop;
	(pc) =	sbr.ind lr, $3  }
0x3a: {  	_ = 	snop  }
0x3b: {  	_ = 	snop  }
0x3c: {  	p2 =	seq.s32 s10, $0x1;
	s10 =	sld [smem:$0x3FBA]  }
0x3d: {  	_ =	shalt  }
0x3e: {  	_ =	shalt  }
0x3f: {  	_ =	shalt  }
0x40: {  	_ =	shalt  }
0x41: {  	_ =	shalt  }
0x42: {  	_ =	shalt  }
0x43: {  	_ =	shalt  }
0x44: {  	_ =	shalt  }
0x45: {  	_ =	shalt  }
0x46: {  	_ =	shalt  }
0x47: {  	_ =	shalt  }
0x48: {  	_ =	shalt  }
0x49: {  	_ =	shalt  }
0x4a: {  	_ =	shalt  }
0x4b: {  	_ =	shalt  }
0x4c: {  	_ =	shalt  }
0x4d: {  	_ =	shalt  }
0x4e: {  	_ =	shalt  }
0x4f: {  	_ =	shalt  }
0x50: {  	_ =	shalt  }
0x51: {  	_ =	shalt  }
0x52: {  	_ =	shalt  }
0x53: {  	_ =	shalt  }
0x54: {  	_ =	shalt  }
0x55: {  	_ =	shalt  }
0x56: {  	_ =	shalt  }
0x57: {  	_ =	shalt  }
0x58: {  	_ =	shalt  }
0x59: {  	_ =	shalt  }
0x5a: {  	_ =	shalt  }
0x5b: {  	_ =	shalt  }
0x5c: {  	_ =	shalt  }
0x5d: {  	_ =	shalt  }
0x5e: {  	_ =	shalt  }
0x5f: {  	_ =	shalt  }
0x60: {  	_ =	shalt  }
0x61: {  	_ =	shalt  }
0x62: {  	_ =	shalt  }
0x63: {  	_ =	shalt  }
0x64: {  	_ =	shalt  }
0x65: {  	_ =	shalt  }
0x66: {  	_ =	shalt  }
0x67: {  	_ =	shalt  }
0x68: {  	_ =	shalt  }
0x69: {  	_ =	shalt  }
0x6a: {  	_ =	shalt  }
0x6b: {  	_ =	shalt  }
0x6c: {  	_ =	shalt  }
0x6d: {  	_ =	shalt  }
0x6e: {  	_ =	shalt  }
0x6f: {  	_ =	shalt  }
0x70: {  	_ =	shalt  }
0x71: {  	_ =	shalt  }
0x72: {  	_ =	shalt  }
0x73: {  	_ =	shalt  }
0x74: {  	_ =	shalt  }
0x75: {  	_ =	shalt  }
0x76: {  	_ =	shalt  }
0x77: {  	_ =	shalt  }
0x78: {  	_ =	shalt  }
0x79: {  	_ =	shalt  }
0x7a: {  	_ =	shalt  }
0x7b: {  	_ =	shalt  }
0x7c: {  	_ =	shalt  }
0x7d: {  	_ =	shalt  }
0x7e: {  	_ =	shalt  }
0x7f: {  	_ =	shalt  }
0x80: {  	_ =	shalt  }
0x81: {  	_ =	shalt  }
0x82: {  	_ =	shalt  }
0x83: {  	_ =	shalt  }
0x84: {  	_ =	shalt  }
0x85: {  	_ =	shalt  }
0x86: {  	_ =	shalt  }
0x87: {  	_ =	shalt  }
.Lfunc_end0:
.L_simem_size_0:
called_computation_lowered:
.L_overlay_start_0:
0x88: {  	s2 =	sld [smem:$0x3FD9]  }
0x89: {  	s3 =	sld [smem:$0x3FFE];
	_ =	sdelay $0x1  }
0x8a: {  	s1 =	srdreg.scid  }
0x8b: {  	s0 =	sand.u32 $0x1, s1  }
0x8c: {  	s18 =	sshll.u32 s0, $0xA;
	s2 =	sadd.s32 s3, s2  }
0x8d: {  	s2 =	sadd.s32 s2, s18  }
0x8e: {  	[smem:$0x3FC6] =	sst s2  }
0x8f: {  	_ = 	snop  }
0x90: {  	s2 =	sld [smem:$0x3FC9]  }
0x91: {  	s19 =	sld [smem:$0x3FC8]  }
0x92: {  	s4 =	sld [smem:$0x3FD0];
	(tm) =	ssettm $0x1  }
0x93: {  	s5 =	sld [smem:$0x3FFB];
	_ =	sdelay $0x3  }
0x94: {  	_ =	strace s5  }
0x95: {  	s5 =	sld [smem:$0x3FFC];
	_ =	sdelay $0x3  }
0x96: {  	_ =	strace s5  }
0x97: {  	s5 =	sld [smem:$0x3FFD];
	_ =	sdelay $0x3  }
0x98: {  	_ =	strace s5  }
0x99: {  	_ =	strace $0x8FFFFFFF  }
0x9a: {  	s20 =	sld [smem:$0x3FDB];
	_ =	sdelay $0x1  }
0x9b: {  	s6 =	simm.s32 $_scs_section_size  }
0x9c: {  	s7 =	simm.s32 $_size__tile_overlayer_lowered;
	s8 =	simm.s32 $_tile_overlayer_lowered  }
0x9d: {  	s23 =	simm.s32 $0x1BFF;
	s22 =	sshll.u32 s8, $0x1;
	s5 =	sadd.s32 s6, s20  }
0x9e: {  	s9 =	simm.s32 $0x0;
	s21 =	sshll.u32 s7, $0x1;
	s7 =	sadd.s32 s22, s5  }
0x9f: {  	[timem:s9], [sflag:s23] =	dma.local [hbm:s7], s21  }
0xa0: {  	_ =	swait.ge [sflag:s23], s21  }
0xa1: {  	s6 =	ssub.s32 $0x0, s21;
	[sflag:s23] =	ssyncset.done $0x0  }
0xa2: {  	[sflag:s23] =	ssyncadd.s32 s6;
	_ =	sdelay $0x1  }
0xa3: {  	s24 =	simm.s32 $0x1B8B  }
0xa4: {  	_ =	swait.ge [sflag:s24], $0x1  }
0xa5: {  	[sflag:s24] =	ssyncset.done $0x0  }
0xa6: {  	s25 =	simm.s32 $0x1B8E;
	[sflag:s24] =	ssyncadd.s32 $0xFFFFFFFF  }
0xa7: {  	s26 =	simm.s32 $execute0_lowered;
	[smem:$0x3FD2] =	sst s25  }
0xa8: {  	s6 =	sshll.u32 s26, $0x1;
	_ =	strace $0x80000046;
	[dreg:$0x1] =	wrdreg $0xFFFFFFFF  }
0xa9: {  	s28 =	simm.s32 $_size_execute0_lowered;
	s5 =	sadd.s32 s5, s6;
	[dreg:$0x0] =	wrdreg $0x0  }
0xaa: {  	s6 =	sshll.u32 s28, $0x1;
	[dreg:$0x2] =	wrdreg s5  }
0xab: {  	[dreg:$0x3] =	wrdreg s6  }
0xac: {  	[dreg:$0x4] =	wrdreg $0xC0  }
0xad: {  	_ =	task [dreg:s9], $0x5FFFF  }
0xae: {  	[dreg:$0x1] =	wrdreg $0xFFFFFFFF  }
0xaf: {  	[dreg:$0x0] =	wrdreg $0x60  }
0xb0: {  	[dreg:$0x2] =	wrdreg s2  }
0xb1: {  	[dreg:$0x3] =	wrdreg s19  }
0xb2: {  	[dreg:$0x4] =	wrdreg s4  }
0xb3: {  	[dreg:$0x5] =	wrdreg $0x9  }
0xb4: {  	_ =	task.clear_ibuf [dreg:s9], $0x6FFFF;
	_ =	strace $0x90000046  }
0xb5: {  	s29 =	simm.s32 $0x9;
	_ =	strace $0x80000048  }
0xb6: {  	_ =	swait.ge [sflag:s29], $0x1  }
0xb7: {  	[sflag:s29] =	ssyncadd.s32 $0xFFFFFFFF  }
0xb8: {  	_ =	strace $0x90000048  }
0xb9: {  	_ =	sfence  }
0xba: {  	s30 =	sld [smem:$0x0];
	_ =	sdelay $0x2  }
0xbb: {  	s31 =	sshll.u32 s1, $0xD;
	s1 =	sshrl.u32 s1, $0x2  }
0xbc: {  	s3 =	sand.u32 $0x4000, s31;
	s1 =	sadd.s32 s1, s30  }
0xbd: {  	s0 =	sor.u32 s3, s0;
	s1 =	sshll.u32 s1, $0x11  }
0xbe: {  	s0 =	sor.u32 s1, s0  }
0xbf: {  	s0 =	sadd.s32 $0x8F2B, s0  }
0xc0: {  	[sflag:s0] =	ssyncadd.remote.s32 $0x1  }
0xc1: {  	_ =	sfence.sel $0xFFFF  }
0xc2: {  	[dreg:$0x0] =	wrdreg $0xFFFFFFFF;
	(pc) =	sbr.abs _section_cstart, $3  }
0xc3: {  	[dreg:$0x1] =	wrdreg $0xFFFFFFFF  }
0xc4: {  	_ =	task.clear_ibuf [dreg:s9], $0x2FFFF;
	_ =	strace $0x9FFFFFFF  }
0xc5: {  	(tm) =	ssettm $0x7FFFFFFF  }
tec
execute0_lowered:
.L_overlay_start_1:
0x0: {  	(tag) =	ssettag $0x1  }
0x1: {  	s1 =	rddreg [dreg:$0x0]  }
0x2: {  	s0 =	rddreg [dreg:$0x1]  }
0x3: {  	s2 =	rddreg [dreg:$0x2];
	s4 =	simm.s32 $0x0;
	s3 =	srdreg.scid  }
0x4: {  	s6 =	stileid.u32;
	s14 =	simm.s32 $0x80;
	s16 =	simm.s32 $0x180  }
0x5: {  	s18 =	simm.s32 $0x200;
	s20 =	simm.s32 $0x4200;
	s22 =	simm.s32 $0x8200  }
0x6: {  	s23 =	simm.s32 $0x5;
	s24 =	simm.s32 $0x4;
	s25 =	simm.s32 $0xC200  }
0x7: {  	s28 =	simm.s32 $0x7;
	s29 =	simm.s32 $0x8;
	s30 =	simm.s32 $0xC  }
0x8: {  	s31 =	simm.s32 $0x0;
	[smem:$0x7FF] =	sst s4;
	s3 =	sand.u32 $0x1, s3  }
0x9: {  	s6 =	sshll.u32 s6, $0xA;
	s5 =	ssub.s32 $0x2, s3;
	s3 =	sshll.u32 s3, $0x9  }
0xa: {  	_ =	strace $0x80000047;
	s7 =	sshrl.u32 s5, $0x1;
	s3 =	sor.u32 s3, s6  }
0xb: {  	s13 =	ssub.s32 s5, s7;
	s5 =	sadd.s32 s0, s3;
	s10 =	sor.u32 $0x80, s3  }
0xc: {  	s11 =	sor.u32 $0x100, s3;
	s12 =	sor.u32 $0x180, s3;
	s9 =	sshll.u32 s3, $0x7  }
0xd: {  	s6 =	sadd.s32 s0, s10;
	s7 =	sadd.s32 s0, s11;
	s8 =	sadd.s32 s0, s12  }
0xe: {  	s10 =	sshll.u32 s10, $0x7;
	s11 =	sshll.u32 s11, $0x7;
	s26 =	smax.u32 s13, $0x1  }
0xf: {  	s12 =	sshll.u32 s12, $0x7;
	[dreg:$0x4] =	wrdreg s26;
	s26 =	simm.s32 $0x6  }
.LBB2_1:
0x10: {  	[tilespmem:s4], [sflag:$0x1] =	stream.linear.gather [hbm4b:s5+s4], $0x80, $0x38;
	[tilespmem:$0x10200] =	vst v63  }
0x11: {  	_ = 	snop  }
0x12: {  	[tilespmem:s14], [sflag:$0x2] =	stream.linear.gather [hbm4b:s6+s4], $0x80, $0x38;
	[tilespmem:$0x10200] =	vst v63  }
0x13: {  	s0 =	simm.s32 $0x100  }
0x14: {  	[tilespmem:s0], [sflag:$0x3] =	stream.linear.gather [hbm4b:s7+s4], $0x80, $0x38;
	[tilespmem:$0x10200] =	vst v63  }
0x15: {  	s3 =	simm.s32 $0x1  }
0x16: {  	[tilespmem:s16], [sflag:$0x4] =	stream.linear.gather [hbm4b:s8+s4], $0x80, $0x38;
	[tilespmem:$0x10200] =	vst v63  }
0x17: {  	_ =	swait.ge [sflag:s3], $0x80  }
0x18: {  	[sflag:s3] =	ssyncset.done $0x0  }
0x19: {  	s19 =	simm.s32 $0x2;
	[sflag:s3] =	ssyncadd.s32 $0xFFFFFF80  }
0x1a: {  	[tilespmem:s18], [sflag:$0x5] =	stream.indirect.gather [hbm4b:s1+s14], $0x80, s4, s14, $0xb8;
	[tilespmem:$0x10200] =	vst v63  }
0x1b: {  	_ =	swait.ge [sflag:s19], $0x80  }
0x1c: {  	[sflag:s19] =	ssyncset.done $0x0  }
0x1d: {  	s21 =	simm.s32 $0x3;
	[sflag:s19] =	ssyncadd.s32 $0xFFFFFF80  }
0x1e: {  	[tilespmem:s20], [sflag:$0x6] =	stream.indirect.gather [hbm4b:s1+s14], $0x80, s14, s14, $0xb8;
	[tilespmem:$0x10200] =	vst v63  }
0x1f: {  	_ =	swait.ge [sflag:s21], $0x80  }
0x20: {  	[sflag:s21] =	ssyncset.done $0x0  }
0x21: {  	s13 =	simm.s32 $0x0;
	[sflag:s21] =	ssyncadd.s32 $0xFFFFFF80  }
0x22: {  	[tilespmem:s22], [sflag:$0x7] =	stream.indirect.gather [hbm4b:s1+s14], $0x80, s0, s14, $0xb8;
	[tilespmem:$0x10200] =	vst v63  }
.LBB2_2:
0x23: {  	p0 =	seq.s32 s13, $0xC7  }
0x24: {  	s0 =	sadd.s32 @!p0 $0x1, s13  }
0x25: {  	_ =	swait.ge [sflag:s23], $0x4000;
	s3 =	sshll.u32 @!p0 s0, $0xB;
	s15 =	sshll.u32 @!p0 s0, $0x4  }
0x26: {  	[sflag:s23] =	ssyncset.done $0x0;
	s3 =	sand.u32 @!p0 $0xFC000, s3;
	s15 =	sand.u32 @!p0 $0x70, s15  }
0x27: {  	p1 =	seq.s32 @!p0 s13, $0x0;
	[sflag:s23] =	ssyncadd.s32 $0xFFFFC000;
	s3 =	sor.u32 @!p0 s15, s3  }
0x28: {  	p1 =	por p0, !p1;
	s15 =	simm.s32 @!p0 $0x0;
	s17 =	sadd.s32 @!p0 s3, s5  }
0x29: {  	[tilespmem:s15], [sflag:$0x1] =	stream.linear.gather @!p0 [hbm4b:s17+s15], $0x80, $0x38;
	[tilespmem:$0x10200] =	vst v63  }
0x2a: {  	_ =	swait.ge @p1 [sflag:s30], $0x4000  }
0x2b: {  	[sflag:s30] =	ssyncset.done @p1 $0x0  }
0x2c: {  	[sflag:s30] =	ssyncadd.s32 @p1 $0xFFFFC000  }
0x2d: {  	s13 =	sshll.u32 s13, $0x15;
	_ =	swait.ge [sflag:s24], $0x80  }
0x2e: {  	s19 =	sor.u32 s9, s13;
	[sflag:s24] =	ssyncset.done $0x0  }
0x2f: {  	s17 =	sshrl.u32 s19, $0x3;
	[sflag:s24] =	ssyncadd.s32 $0xFFFFFF80  }
0x30: {  	[tilespmem:s25], [sflag:$0x8] =	stream.indirect.gather [hbm4b:s1+s14], $0x80, s16, s14, $0xb8;
	[tilespmem:$0x10200] =	vst v63  }
0x31: {  	s17 =	sadd.s32 s2, s17  }
0x32: {  	[hbm4b:s17+s4] =	stream.linear.scatter [tilespmem:s18], [sflag:$0x9], $0x4000, $0x38;
	[tilespmem:$0x10200] =	vst v63  }
0x33: {  	_ =	swait.ge [sflag:s26], $0x4000  }
0x34: {  	[sflag:s26] =	ssyncset.done $0x0  }
0x35: {  	s17 =	simm.s32 @p0 $0x9;
	[sflag:s26] =	ssyncadd.s32 $0xFFFFC000  }
0x36: {  	_ =	swait.ge @p0 [sflag:s17], $0x4000  }
0x37: {  	[sflag:s17] =	ssyncset.done @p0 $0x0  }
0x38: {  	s19 =	simm.s32 @!p0 $0x80;
	[sflag:s17] =	ssyncadd.s32 @p0 $0xFFFFC000;
	s17 =	sadd.s32 @!p0 s3, s6  }
0x39: {  	[tilespmem:s19], [sflag:$0x2] =	stream.linear.gather @!p0 [hbm4b:s17+s15], $0x80, $0x38;
	[tilespmem:$0x10200] =	vst v63  }
0x3a: {  	s17 =	simm.s32 @!p0 $0x9  }
0x3b: {  	_ =	swait.ge @!p0 [sflag:s17], $0x4000  }
0x3c: {  	[sflag:s17] =	ssyncset.done @!p0 $0x0  }
0x3d: {  	[sflag:s17] =	ssyncadd.s32 @!p0 $0xFFFFC000;
	s17 =	simm.s32 @!p0 $0x1  }
0x3e: {  	_ =	swait.ge @!p0 [sflag:s17], $0x80  }
0x3f: {  	[sflag:s17] =	ssyncset.done @!p0 $0x0  }
0x40: {  	s21 =	sor.u32 s10, s13;
	[sflag:s17] =	ssyncadd.s32 @!p0 $0xFFFFFF80;
	s17 =	simm.s32 @!p0 $0x200  }
0x41: {  	[tilespmem:s17], [sflag:$0x5] =	stream.indirect.gather @!p0 [hbm4b:s1+s19], $0x80, s15, s19, $0xb8;
	[tilespmem:$0x10200] =	vst v63  }
0x42: {  	s17 =	sshrl.u32 s21, $0x3  }
0x43: {  	s17 =	sadd.s32 s2, s17  }
0x44: {  	[hbm4b:s17+s4] =	stream.linear.scatter [tilespmem:s20], [sflag:$0xA], $0x4000, $0x38;
	[tilespmem:$0x10200] =	vst v63  }
0x45: {  	_ =	swait.ge [sflag:s28], $0x4000  }
0x46: {  	[sflag:s28] =	ssyncset.done $0x0  }
0x47: {  	s17 =	simm.s32 @p0 $0xA;
	[sflag:s28] =	ssyncadd.s32 $0xFFFFC000  }
0x48: {  	_ =	swait.ge @p0 [sflag:s17], $0x4000  }
0x49: {  	[sflag:s17] =	ssyncset.done @p0 $0x0  }
0x4a: {  	s21 =	simm.s32 @!p0 $0x100;
	[sflag:s17] =	ssyncadd.s32 @p0 $0xFFFFC000;
	s17 =	sadd.s32 @!p0 s3, s7  }
0x4b: {  	[tilespmem:s21], [sflag:$0x3] =	stream.linear.gather @!p0 [hbm4b:s17+s15], $0x80, $0x38;
	[tilespmem:$0x10200] =	vst v63  }
0x4c: {  	s17 =	simm.s32 @!p0 $0xA  }
0x4d: {  	_ =	swait.ge @!p0 [sflag:s17], $0x4000  }
0x4e: {  	[sflag:s17] =	ssyncset.done @!p0 $0x0  }
0x4f: {  	[sflag:s17] =	ssyncadd.s32 @!p0 $0xFFFFC000;
	s17 =	simm.s32 @!p0 $0x2  }
0x50: {  	_ =	swait.ge @!p0 [sflag:s17], $0x80  }
0x51: {  	[sflag:s17] =	ssyncset.done @!p0 $0x0  }
0x52: {  	[sflag:s17] =	ssyncadd.s32 @!p0 $0xFFFFFF80;
	s17 =	simm.s32 @!p0 $0x4200  }
0x53: {  	[tilespmem:s17], [sflag:$0x6] =	stream.indirect.gather @!p0 [hbm4b:s1+s19], $0x80, s19, s19, $0xb8;
	[tilespmem:$0x10200] =	vst v63  }
0x54: {  	s17 =	sor.u32 s11, s13  }
0x55: {  	s17 =	sshrl.u32 s17, $0x3  }
0x56: {  	s17 =	sadd.s32 s2, s17  }
0x57: {  	[hbm4b:s17+s4] =	stream.linear.scatter [tilespmem:s22], [sflag:$0xB], $0x4000, $0x38;
	[tilespmem:$0x10200] =	vst v63  }
0x58: {  	_ =	swait.ge [sflag:s29], $0x4000  }
0x59: {  	[sflag:s29] =	ssyncset.done $0x0  }
0x5a: {  	s17 =	simm.s32 @p0 $0xB;
	[sflag:s29] =	ssyncadd.s32 $0xFFFFC000  }
0x5b: {  	_ =	swait.ge @p0 [sflag:s17], $0x4000  }
0x5c: {  	[sflag:s17] =	ssyncset.done @p0 $0x0  }
0x5d: {  	s3 =	sadd.s32 @!p0 s3, s8;
	[sflag:s17] =	ssyncadd.s32 @p0 $0xFFFFC000;
	s17 =	simm.s32 @!p0 $0x180  }
0x5e: {  	[tilespmem:s17], [sflag:$0x4] =	stream.linear.gather @!p0 [hbm4b:s3+s15], $0x80, $0x38;
	[tilespmem:$0x10200] =	vst v63  }
0x5f: {  	s3 =	simm.s32 @!p0 $0xB  }
0x60: {  	_ =	swait.ge @!p0 [sflag:s3], $0x4000  }
0x61: {  	[sflag:s3] =	ssyncset.done @!p0 $0x0  }
0x62: {  	[sflag:s3] =	ssyncadd.s32 @!p0 $0xFFFFC000;
	s3 =	simm.s32 @!p0 $0x3  }
0x63: {  	_ =	swait.ge @!p0 [sflag:s3], $0x80  }
0x64: {  	[sflag:s3] =	ssyncset.done @!p0 $0x0  }
0x65: {  	s0 =	simm.s32 @p0 $0xC8;
	[sflag:s3] =	ssyncadd.s32 @!p0 $0xFFFFFF80;
	s3 =	simm.s32 @!p0 $0x8200  }
0x66: {  	[tilespmem:s3], [sflag:$0x7] =	stream.indirect.gather @!p0 [hbm4b:s1+s19], $0x80, s21, s19, $0xb8;
	[tilespmem:$0x10200] =	vst v63  }
0x67: {  	p0 =	sne.s32 s0, $0xC8  }
.Ltmp0:
0x68: {  	_ = 	snop;
	(pc) =	sbr.rel @p0 .LBB2_2-.Ltmp0, $4  }
0x69: {  	s21 =	sor.u32 s12, s13  }
0x6a: {  	s3 =	sshrl.u32 s21, $0x3  }
0x6b: {  	s13 =	smov.u32 s0;
	s3 =	sadd.s32 s2, s3  }
0x6c: {  	[hbm4b:s3+s4] =	stream.linear.scatter [tilespmem:s25], [sflag:$0xC], $0x4000, $0x38;
	[tilespmem:$0x10200] =	vst v63  }
0x6d: {  	_ =	swait.ge [sflag:s30], $0x4000  }
0x6e: {  	s31 =	sadd.s32 $0x1, s31;
	s0 =	rddreg [dreg:$0x4]  }
0x6f: {  	p0 =	sne.s32 s31, s0  }
.Ltmp1:
0x70: {  	_ = 	snop;
	(pc) =	sbr.rel @p0 .LBB2_1-.Ltmp1, $3  }
0x71: {  	_ =	sdelay $0x1  }
0x72: {  	[sflag:s30] =	ssyncset.done $0x0  }
0x73: {  	[sflag:s30] =	ssyncadd.s32 $0xFFFFC000  }
0x74: {  	_ =	sfence.sel $0x180000  }
0x75: {  	[bflag:$0x0] =	sbarrier.arrive $0xFFFF  }
0x76: {  	_ =	strace $0x90000047  }
0x77: {  	s0 =	stileid.u32;
	[bflag:$0x2] =	sbarrier.arrive $0xFFFF  }
0x78: {  	p0 =	sne.s32 s0, $0x0;
	s0 =	rddreg [dreg:$0x3]  }
0x79: {  	s0 =	sadd.s32 @!p0 $0x100000, s0  }
0x7a: {  	[sflag:s0] =	ssyncadd.tile.s32 @!p0 $0x1;
	_ =	shalt  }
.Lfunc_end2:
_tile_overlayer_lowered:
.L_overlay_start_2:
0x7b: {  	(tag) =	ssettag $0x2  }
0x7c: {  	s0 =	rddreg [dreg:$0x0];
	s2 =	stileid.u32  }
0x7d: {  	s1 =	rddreg [dreg:$0x1];
	p0 =	sne.s32 s2, $0x0  }
0x7e: {  	s3 =	rddreg [dreg:$0x2];
	[bflag:$0x3] =	sbarrier.arrive $0xFFFF;
	s2 =	simm.s32 @!p0 $0x1C0D  }
0x7f: {  	[timem:s3], [sflag:s2] =	dma.local @!p0 [hbm:s0], s1  }
0x80: {  	s0 =	simm.s32 @!p0 $0xD  }
0x81: {  	_ =	swait.ge @!p0 [sflag:s0], s1  }
0x82: {  	s1 =	ssub.s32 @!p0 $0x0, s1;
	[sflag:s0] =	ssyncset.done @!p0 $0x0  }
0x83: {  	[sflag:s0] =	ssyncadd.s32 @!p0 s1  }
0x84: {  	[bflag:$0x3] =	sbarrier.arrive $0xFFFF  }
0x85: {  	_ =	shalt  }

</sc_bundles>
